<compile_context>
chip_gen: v7x
topology: tpu7x:2x2x1
jax: 0.10.2.dev20260603
libtpu: 0.0.44.dev20260713+nightly
codegen_flags: <defaults>
</compile_context>

<pallas_src>
import functools

import jax
import jax.numpy as jnp
from jax import lax
from jax.experimental import pallas as pl
from jax.experimental.pallas import tpu as pltpu
from jax.experimental.pallas import tpu_sc as plsc

N = 2097152
NW = 32
PER_W = N // NW
C = 16384
T = PER_W // C

MAX_CELL = 256.0 - 2.0 ** -15

ROWS = N // 128
BLK = 1024


def _idx_kernel(x_ref, o_ref):
    def cell(v):
        return jnp.minimum(v * 128.0 + 128.0, MAX_CELL).astype(jnp.int32)

    i = cell(x_ref[:, 0, :])
    j = cell(x_ref[:, 1, :])
    k = cell(x_ref[:, 2, :])
    jpart = (j << 7) + ((j >> 3) << 10)
    kpart = (k & 127) | ((k >> 7) << 10)
    o_ref[:, :] = (i << 16) | jpart | kpart


_compute_idx = pl.pallas_call(
    _idx_kernel,
    grid=(ROWS // BLK,),
    in_specs=[pl.BlockSpec((BLK, 3, 128), lambda g: (g, 0, 0))],
    out_specs=pl.BlockSpec((BLK, 128), lambda g: (g, 0)),
    out_shape=jax.ShapeDtypeStruct((ROWS, 128), jnp.int32),
)

_mesh = plsc.VectorSubcoreMesh(core_axis_name="c", subcore_axis_name="s")


@functools.partial(
    pl.kernel,
    mesh=_mesh,
    out_type=jax.ShapeDtypeStruct((N,), jnp.float32),
    compiler_params=pltpu.CompilerParams(needs_layout_passes=False),
    scratch_types=[
        pltpu.VMEM((C,), jnp.int32),
        pltpu.VMEM((C,), jnp.int32),
        pltpu.VMEM((C,), jnp.float32),
        pltpu.VMEM((C,), jnp.float32),
        pltpu.SemaphoreType.DMA,
        pltpu.SemaphoreType.DMA,
        pltpu.SemaphoreType.DMA,
        pltpu.SemaphoreType.DMA,
        pltpu.SemaphoreType.DMA,
        pltpu.SemaphoreType.DMA,
    ],
)
def _sc_gather(idx_hbm, grid_hbm, out_hbm,
               i0, i1, o0, o1, si0, si1, sg0, sg1, so0, so1):
    wid = lax.axis_index("s") * 2 + lax.axis_index("c")
    base = wid * PER_W
    ib = (i0, i1)
    ob = (o0, o1)
    si = (si0, si1)
    sg = (sg0, sg1)
    so = (so0, so1)

    def icopy(t):
        return pltpu.make_async_copy(
            idx_hbm.at[pl.ds(base + t * C, C)], ib[t % 2], si[t % 2])

    def gcopy(t):
        return pltpu.make_async_copy(grid_hbm.at[ib[t % 2]], ob[t % 2], sg[t % 2])

    def ocopy(t):
        return pltpu.make_async_copy(
            ob[t % 2], out_hbm.at[pl.ds(base + t * C, C)], so[t % 2])

    icopy(0).start()
    icopy(1).start()
    for t in range(T):
        icopy(t).wait()
        if t >= 2:
            ocopy(t - 2).wait()
        gcopy(t).start()
        gcopy(t).wait()
        if t + 2 < T:
            icopy(t + 2).start()
        ocopy(t).start()
    ocopy(T - 2).wait()
    ocopy(T - 1).wait()


def kernel(x, grid):
    grid_lin = (
        grid.reshape(256, 32, 8, 2, 128)
        .transpose(0, 1, 3, 2, 4)
        .reshape(-1)
    )
    xt = x.reshape(-1, 128, 3).transpose(0, 2, 1)
    idx = _compute_idx(xt).reshape(-1)
    return _sc_gather(idx, grid_lin)

# --- scband reference (transcript-rebuilt; emitter-appended) ---
"""Pipeline reference for scband-dense-grid-9199819948346 (READ-ONLY COPY).

The authoritative reference and input builder live on the scoring server;
editing this copy changes nothing except your own understanding.
"""

import jax, jax.numpy as jnp
import numpy as np

AABB_MIN = jnp.array([-1.0, -1.0, -1.0], dtype=jnp.float32)
AABB_MAX = jnp.array([1.0, 1.0, 1.0], dtype=jnp.float32)
RESOLUTION = (256, 256, 256)


def setup_inputs(seed: int = 0) -> dict:
    key = jax.random.key(seed)
    k_x, k_g = jax.random.split(key)
    # query points uniformly distributed inside the bbox [-1, 1]^3
    x = jax.random.uniform(k_x, (2097152, 3), dtype=jnp.float32, minval=-1.0, maxval=1.0)
    # grid buffer (occupancy values); torch initializes to zeros but we fill with
    # rand so the gather output is non-trivial
    grid = jax.random.uniform(k_g, RESOLUTION, dtype=jnp.float32)
    return {"x": x, "grid": grid}


def _normalize(x):
    # SceneBox.get_normalized_points: map bbox -> [0, 1]^D (per-dim scaling)
    lengths = AABB_MAX - AABB_MIN
    return (x - AABB_MIN) / lengths


def reference(x, grid):
    # DenseGrid.forward(x, is_normalized=False)
    xn = _normalize(x)
    eps = jnp.finfo(jnp.float32).eps
    xn = jnp.clip(xn, 0.0, 1.0 - eps)
    resolution = jnp.array(grid.shape, dtype=jnp.float32)
    idx = jnp.floor(xn * resolution).astype(jnp.int32)
    # grid[indices] with indices = x.unbind(-1): advanced indexing per dim -> gather
    return grid[idx[:, 0], idx[:, 1], idx[:, 2]]

if __name__ == "__main__":
    import jax
    _d = setup_inputs()
    print(jax.jit(kernel)(*tuple(_d.values())))

</pallas_src>

<mosaic_0001>
#map = affine_map<(d0, d1) -> (0)>
module attributes {stable_mosaic.version = 14 : i64} {
  func.func @_sc_gather(%arg0: i32, %arg1: i32, %arg2: memref<2097152xi32, #tpu.memory_space<hbm>>, %arg3: memref<16777216xf32, #tpu.memory_space<hbm>>, %arg4: memref<2097152xf32, #tpu.memory_space<hbm>>, %arg5: memref<16384xi32, #tpu.memory_space<vmem>>, %arg6: memref<16384xi32, #tpu.memory_space<vmem>>, %arg7: memref<16384xf32, #tpu.memory_space<vmem>>, %arg8: memref<16384xf32, #tpu.memory_space<vmem>>, %arg9: memref<!tpu.dma_semaphore, #tpu.memory_space<semaphore_mem>>, %arg10: memref<!tpu.dma_semaphore, #tpu.memory_space<semaphore_mem>>, %arg11: memref<!tpu.dma_semaphore, #tpu.memory_space<semaphore_mem>>, %arg12: memref<!tpu.dma_semaphore, #tpu.memory_space<semaphore_mem>>, %arg13: memref<!tpu.dma_semaphore, #tpu.memory_space<semaphore_mem>>, %arg14: memref<!tpu.dma_semaphore, #tpu.memory_space<semaphore_mem>>) attributes {dimension_semantics = [#tpu.dimension_semantics<core_parallel>, #tpu.dimension_semantics<subcore_parallel>], iteration_bounds = array<i64: 2, 16>, scalar_prefetch = 0 : i64, scratch_operands = 10 : i64, tpu.core_type = #tpu.core_type<sc_vector_subcore>, window_params = [{transform_indices = #map}, {transform_indices = #map}, {transform_indices = #map}]} {
    %mul3A = arith.constant 2 : i32
    %mul3A_0 = arith.muli %arg1, %mul3A : i32
    %add3A = arith.addi %mul3A_0, %arg0 : i32
    %mul3A_1 = arith.constant 65536 : i32
    %mul3A_2 = arith.muli %add3A, %mul3A_1 : i32
    %add3A_3 = arith.constant 0 : i32
    %add3A_4 = arith.addi %mul3A_2, %add3A_3 : i32
    %dma_start3A = tpu.memref_slice %arg2[%add3A_4] : memref<2097152xi32, #tpu.memory_space<hbm>> -> memref<16384xi32, #tpu.memory_space<hbm>>
    %dma_start3A_5 = tpu.memref_slice %arg2[%add3A_4] : memref<2097152xi32, #tpu.memory_space<hbm>> -> memref<16384xi32, #tpu.memory_space<hbm>>
    tpu.enqueue_dma source(%dma_start3A_5 : memref<16384xi32, #tpu.memory_space<hbm>>) target(%arg5 : memref<16384xi32, #tpu.memory_space<vmem>>) target_semaphore(%arg9 : memref<!tpu.dma_semaphore, #tpu.memory_space<semaphore_mem>>)
    %add3A_6 = arith.constant 16384 : i32
    %add3A_7 = arith.addi %mul3A_2, %add3A_6 : i32
    %dma_start3A_8 = tpu.memref_slice %arg2[%add3A_7] : memref<2097152xi32, #tpu.memory_space<hbm>> -> memref<16384xi32, #tpu.memory_space<hbm>>
    %dma_start3A_9 = tpu.memref_slice %arg2[%add3A_7] : memref<2097152xi32, #tpu.memory_space<hbm>> -> memref<16384xi32, #tpu.memory_space<hbm>>
    tpu.enqueue_dma source(%dma_start3A_9 : memref<16384xi32, #tpu.memory_space<hbm>>) target(%arg6 : memref<16384xi32, #tpu.memory_space<vmem>>) target_semaphore(%arg10 : memref<!tpu.dma_semaphore, #tpu.memory_space<semaphore_mem>>)
    %add3A_10 = arith.constant 0 : i32
    %add3A_11 = arith.addi %mul3A_2, %add3A_10 : i32
    %dma_wait3A = tpu.memref_slice %arg2[%add3A_11] : memref<2097152xi32, #tpu.memory_space<hbm>> -> memref<16384xi32, #tpu.memory_space<hbm>>
    %dma_wait3A_12 = tpu.memref_slice %arg2[%add3A_11] : memref<2097152xi32, #tpu.memory_space<hbm>> -> memref<16384xi32, #tpu.memory_space<hbm>>
    tpu.wait_dma2 semaphore(%arg9 : memref<!tpu.dma_semaphore, #tpu.memory_space<semaphore_mem>>) src(%dma_wait3A_12 : memref<16384xi32, #tpu.memory_space<hbm>>) dst(%arg5 : memref<16384xi32, #tpu.memory_space<vmem>>)
    %dma_start3A_13 = arith.constant 0 : i32
    %dma_start3A_14 = tpu.memref_slice %arg3[%dma_start3A_13] : memref<16777216xf32, #tpu.memory_space<hbm>> -> memref<16777216xf32, #tpu.memory_space<hbm>>
    tpu.enqueue_indirect_dma source(%dma_start3A_14 : memref<16777216xf32, #tpu.memory_space<hbm>>) target(%arg7 : memref<16384xf32, #tpu.memory_space<vmem>>) offsets(%arg5 : memref<16384xi32, #tpu.memory_space<vmem>>) semaphore(%arg11 : memref<!tpu.dma_semaphore, #tpu.memory_space<semaphore_mem>>)
    %dma_wait3A_15 = arith.constant 0 : i32
    %dma_wait3A_16 = tpu.memref_slice %arg3[%dma_wait3A_15] : memref<16777216xf32, #tpu.memory_space<hbm>> -> memref<16777216xf32, #tpu.memory_space<hbm>>
    tpu.wait_indirect_dma semaphore(%arg11 : memref<!tpu.dma_semaphore, #tpu.memory_space<semaphore_mem>>) src(%dma_wait3A_16 : memref<16777216xf32, #tpu.memory_space<hbm>>) dst(%arg7 : memref<16384xf32, #tpu.memory_space<vmem>>)
    %add3A_17 = arith.constant 32768 : i32
    %add3A_18 = arith.addi %mul3A_2, %add3A_17 : i32
    %dma_start3A_19 = tpu.memref_slice %arg2[%add3A_18] : memref<2097152xi32, #tpu.memory_space<hbm>> -> memref<16384xi32, #tpu.memory_space<hbm>>
    %dma_start3A_20 = tpu.memref_slice %arg2[%add3A_18] : memref<2097152xi32, #tpu.memory_space<hbm>> -> memref<16384xi32, #tpu.memory_space<hbm>>
    tpu.enqueue_dma source(%dma_start3A_20 : memref<16384xi32, #tpu.memory_space<hbm>>) target(%arg5 : memref<16384xi32, #tpu.memory_space<vmem>>) target_semaphore(%arg9 : memref<!tpu.dma_semaphore, #tpu.memory_space<semaphore_mem>>)
    %add3A_21 = arith.constant 0 : i32
    %add3A_22 = arith.addi %mul3A_2, %add3A_21 : i32
    %dma_start3A_23 = tpu.memref_slice %arg4[%add3A_22] : memref<2097152xf32, #tpu.memory_space<hbm>> -> memref<16384xf32, #tpu.memory_space<hbm>>
    %dma_start3A_24 = tpu.memref_slice %arg4[%add3A_22] : memref<2097152xf32, #tpu.memory_space<hbm>> -> memref<16384xf32, #tpu.memory_space<hbm>>
    tpu.enqueue_dma source(%arg7 : memref<16384xf32, #tpu.memory_space<vmem>>) target(%dma_start3A_24 : memref<16384xf32, #tpu.memory_space<hbm>>) target_semaphore(%arg13 : memref<!tpu.dma_semaphore, #tpu.memory_space<semaphore_mem>>)
    %add3A_25 = arith.constant 16384 : i32
    %add3A_26 = arith.addi %mul3A_2, %add3A_25 : i32
    %dma_wait3A_27 = tpu.memref_slice %arg2[%add3A_26] : memref<2097152xi32, #tpu.memory_space<hbm>> -> memref<16384xi32, #tpu.memory_space<hbm>>
    %dma_wait3A_28 = tpu.memref_slice %arg2[%add3A_26] : memref<2097152xi32, #tpu.memory_space<hbm>> -> memref<16384xi32, #tpu.memory_space<hbm>>
    tpu.wait_dma2 semaphore(%arg10 : memref<!tpu.dma_semaphore, #tpu.memory_space<semaphore_mem>>) src(%dma_wait3A_28 : memref<16384xi32, #tpu.memory_space<hbm>>) dst(%arg6 : memref<16384xi32, #tpu.memory_space<vmem>>)
    %dma_start3A_29 = arith.constant 0 : i32
    %dma_start3A_30 = tpu.memref_slice %arg3[%dma_start3A_29] : memref<16777216xf32, #tpu.memory_space<hbm>> -> memref<16777216xf32, #tpu.memory_space<hbm>>
    tpu.enqueue_indirect_dma source(%dma_start3A_30 : memref<16777216xf32, #tpu.memory_space<hbm>>) target(%arg8 : memref<16384xf32, #tpu.memory_space<vmem>>) offsets(%arg6 : memref<16384xi32, #tpu.memory_space<vmem>>) semaphore(%arg12 : memref<!tpu.dma_semaphore, #tpu.memory_space<semaphore_mem>>)
    %dma_wait3A_31 = arith.constant 0 : i32
    %dma_wait3A_32 = tpu.memref_slice %arg3[%dma_wait3A_31] : memref<16777216xf32, #tpu.memory_space<hbm>> -> memref<16777216xf32, #tpu.memory_space<hbm>>
    tpu.wait_indirect_dma semaphore(%arg12 : memref<!tpu.dma_semaphore, #tpu.memory_space<semaphore_mem>>) src(%dma_wait3A_32 : memref<16777216xf32, #tpu.memory_space<hbm>>) dst(%arg8 : memref<16384xf32, #tpu.memory_space<vmem>>)
    %add3A_33 = arith.constant 49152 : i32
    %add3A_34 = arith.addi %mul3A_2, %add3A_33 : i32
    %dma_start3A_35 = tpu.memref_slice %arg2[%add3A_34] : memref<2097152xi32, #tpu.memory_space<hbm>> -> memref<16384xi32, #tpu.memory_space<hbm>>
    %dma_start3A_36 = tpu.memref_slice %arg2[%add3A_34] : memref<2097152xi32, #tpu.memory_space<hbm>> -> memref<16384xi32, #tpu.memory_space<hbm>>
    tpu.enqueue_dma source(%dma_start3A_36 : memref<16384xi32, #tpu.memory_space<hbm>>) target(%arg6 : memref<16384xi32, #tpu.memory_space<vmem>>) target_semaphore(%arg10 : memref<!tpu.dma_semaphore, #tpu.memory_space<semaphore_mem>>)
    %add3A_37 = arith.constant 16384 : i32
    %add3A_38 = arith.addi %mul3A_2, %add3A_37 : i32
    %dma_start3A_39 = tpu.memref_slice %arg4[%add3A_38] : memref<2097152xf32, #tpu.memory_space<hbm>> -> memref<16384xf32, #tpu.memory_space<hbm>>
    %dma_start3A_40 = tpu.memref_slice %arg4[%add3A_38] : memref<2097152xf32, #tpu.memory_space<hbm>> -> memref<16384xf32, #tpu.memory_space<hbm>>
    tpu.enqueue_dma source(%arg8 : memref<16384xf32, #tpu.memory_space<vmem>>) target(%dma_start3A_40 : memref<16384xf32, #tpu.memory_space<hbm>>) target_semaphore(%arg14 : memref<!tpu.dma_semaphore, #tpu.memory_space<semaphore_mem>>)
    %add3A_41 = arith.constant 32768 : i32
    %add3A_42 = arith.addi %mul3A_2, %add3A_41 : i32
    %dma_wait3A_43 = tpu.memref_slice %arg2[%add3A_42] : memref<2097152xi32, #tpu.memory_space<hbm>> -> memref<16384xi32, #tpu.memory_space<hbm>>
    %dma_wait3A_44 = tpu.memref_slice %arg2[%add3A_42] : memref<2097152xi32, #tpu.memory_space<hbm>> -> memref<16384xi32, #tpu.memory_space<hbm>>
    tpu.wait_dma2 semaphore(%arg9 : memref<!tpu.dma_semaphore, #tpu.memory_space<semaphore_mem>>) src(%dma_wait3A_44 : memref<16384xi32, #tpu.memory_space<hbm>>) dst(%arg5 : memref<16384xi32, #tpu.memory_space<vmem>>)
    %add3A_45 = arith.constant 0 : i32
    %add3A_46 = arith.addi %mul3A_2, %add3A_45 : i32
    %dma_wait3A_47 = tpu.memref_slice %arg4[%add3A_46] : memref<2097152xf32, #tpu.memory_space<hbm>> -> memref<16384xf32, #tpu.memory_space<hbm>>
    %dma_wait3A_48 = tpu.memref_slice %arg4[%add3A_46] : memref<2097152xf32, #tpu.memory_space<hbm>> -> memref<16384xf32, #tpu.memory_space<hbm>>
    tpu.wait_dma2 semaphore(%arg13 : memref<!tpu.dma_semaphore, #tpu.memory_space<semaphore_mem>>) src(%arg7 : memref<16384xf32, #tpu.memory_space<vmem>>) dst(%dma_wait3A_48 : memref<16384xf32, #tpu.memory_space<hbm>>)
    %dma_start3A_49 = arith.constant 0 : i32
    %dma_start3A_50 = tpu.memref_slice %arg3[%dma_start3A_49] : memref<16777216xf32, #tpu.memory_space<hbm>> -> memref<16777216xf32, #tpu.memory_space<hbm>>
    tpu.enqueue_indirect_dma source(%dma_start3A_50 : memref<16777216xf32, #tpu.memory_space<hbm>>) target(%arg7 : memref<16384xf32, #tpu.memory_space<vmem>>) offsets(%arg5 : memref<16384xi32, #tpu.memory_space<vmem>>) semaphore(%arg11 : memref<!tpu.dma_semaphore, #tpu.memory_space<semaphore_mem>>)
    %dma_wait3A_51 = arith.constant 0 : i32
    %dma_wait3A_52 = tpu.memref_slice %arg3[%dma_wait3A_51] : memref<16777216xf32, #tpu.memory_space<hbm>> -> memref<16777216xf32, #tpu.memory_space<hbm>>
    tpu.wait_indirect_dma semaphore(%arg11 : memref<!tpu.dma_semaphore, #tpu.memory_space<semaphore_mem>>) src(%dma_wait3A_52 : memref<16777216xf32, #tpu.memory_space<hbm>>) dst(%arg7 : memref<16384xf32, #tpu.memory_space<vmem>>)
    %add3A_53 = arith.constant 32768 : i32
    %add3A_54 = arith.addi %mul3A_2, %add3A_53 : i32
    %dma_start3A_55 = tpu.memref_slice %arg4[%add3A_54] : memref<2097152xf32, #tpu.memory_space<hbm>> -> memref<16384xf32, #tpu.memory_space<hbm>>
    %dma_start3A_56 = tpu.memref_slice %arg4[%add3A_54] : memref<2097152xf32, #tpu.memory_space<hbm>> -> memref<16384xf32, #tpu.memory_space<hbm>>
    tpu.enqueue_dma source(%arg7 : memref<16384xf32, #tpu.memory_space<vmem>>) target(%dma_start3A_56 : memref<16384xf32, #tpu.memory_space<hbm>>) target_semaphore(%arg13 : memref<!tpu.dma_semaphore, #tpu.memory_space<semaphore_mem>>)
    %add3A_57 = arith.constant 49152 : i32
    %add3A_58 = arith.addi %mul3A_2, %add3A_57 : i32
    %dma_wait3A_59 = tpu.memref_slice %arg2[%add3A_58] : memref<2097152xi32, #tpu.memory_space<hbm>> -> memref<16384xi32, #tpu.memory_space<hbm>>
    %dma_wait3A_60 = tpu.memref_slice %arg2[%add3A_58] : memref<2097152xi32, #tpu.memory_space<hbm>> -> memref<16384xi32, #tpu.memory_space<hbm>>
    tpu.wait_dma2 semaphore(%arg10 : memref<!tpu.dma_semaphore, #tpu.memory_space<semaphore_mem>>) src(%dma_wait3A_60 : memref<16384xi32, #tpu.memory_space<hbm>>) dst(%arg6 : memref<16384xi32, #tpu.memory_space<vmem>>)
    %add3A_61 = arith.constant 16384 : i32
    %add3A_62 = arith.addi %mul3A_2, %add3A_61 : i32
    %dma_wait3A_63 = tpu.memref_slice %arg4[%add3A_62] : memref<2097152xf32, #tpu.memory_space<hbm>> -> memref<16384xf32, #tpu.memory_space<hbm>>
    %dma_wait3A_64 = tpu.memref_slice %arg4[%add3A_62] : memref<2097152xf32, #tpu.memory_space<hbm>> -> memref<16384xf32, #tpu.memory_space<hbm>>
    tpu.wait_dma2 semaphore(%arg14 : memref<!tpu.dma_semaphore, #tpu.memory_space<semaphore_mem>>) src(%arg8 : memref<16384xf32, #tpu.memory_space<vmem>>) dst(%dma_wait3A_64 : memref<16384xf32, #tpu.memory_space<hbm>>)
    %dma_start3A_65 = arith.constant 0 : i32
    %dma_start3A_66 = tpu.memref_slice %arg3[%dma_start3A_65] : memref<16777216xf32, #tpu.memory_space<hbm>> -> memref<16777216xf32, #tpu.memory_space<hbm>>
    tpu.enqueue_indirect_dma source(%dma_start3A_66 : memref<16777216xf32, #tpu.memory_space<hbm>>) target(%arg8 : memref<16384xf32, #tpu.memory_space<vmem>>) offsets(%arg6 : memref<16384xi32, #tpu.memory_space<vmem>>) semaphore(%arg12 : memref<!tpu.dma_semaphore, #tpu.memory_space<semaphore_mem>>)
    %dma_wait3A_67 = arith.constant 0 : i32
    %dma_wait3A_68 = tpu.memref_slice %arg3[%dma_wait3A_67] : memref<16777216xf32, #tpu.memory_space<hbm>> -> memref<16777216xf32, #tpu.memory_space<hbm>>
    tpu.wait_indirect_dma semaphore(%arg12 : memref<!tpu.dma_semaphore, #tpu.memory_space<semaphore_mem>>) src(%dma_wait3A_68 : memref<16777216xf32, #tpu.memory_space<hbm>>) dst(%arg8 : memref<16384xf32, #tpu.memory_space<vmem>>)
    %add3A_69 = arith.constant 49152 : i32
    %add3A_70 = arith.addi %mul3A_2, %add3A_69 : i32
    %dma_start3A_71 = tpu.memref_slice %arg4[%add3A_70] : memref<2097152xf32, #tpu.memory_space<hbm>> -> memref<16384xf32, #tpu.memory_space<hbm>>
    %dma_start3A_72 = tpu.memref_slice %arg4[%add3A_70] : memref<2097152xf32, #tpu.memory_space<hbm>> -> memref<16384xf32, #tpu.memory_space<hbm>>
    tpu.enqueue_dma source(%arg8 : memref<16384xf32, #tpu.memory_space<vmem>>) target(%dma_start3A_72 : memref<16384xf32, #tpu.memory_space<hbm>>) target_semaphore(%arg14 : memref<!tpu.dma_semaphore, #tpu.memory_space<semaphore_mem>>)
    %add3A_73 = arith.constant 32768 : i32
    %add3A_74 = arith.addi %mul3A_2, %add3A_73 : i32
    %dma_wait3A_75 = tpu.memref_slice %arg4[%add3A_74] : memref<2097152xf32, #tpu.memory_space<hbm>> -> memref<16384xf32, #tpu.memory_space<hbm>>
    %dma_wait3A_76 = tpu.memref_slice %arg4[%add3A_74] : memref<2097152xf32, #tpu.memory_space<hbm>> -> memref<16384xf32, #tpu.memory_space<hbm>>
    tpu.wait_dma2 semaphore(%arg13 : memref<!tpu.dma_semaphore, #tpu.memory_space<semaphore_mem>>) src(%arg7 : memref<16384xf32, #tpu.memory_space<vmem>>) dst(%dma_wait3A_76 : memref<16384xf32, #tpu.memory_space<hbm>>)
    %add3A_77 = arith.constant 49152 : i32
    %add3A_78 = arith.addi %mul3A_2, %add3A_77 : i32
    %dma_wait3A_79 = tpu.memref_slice %arg4[%add3A_78] : memref<2097152xf32, #tpu.memory_space<hbm>> -> memref<16384xf32, #tpu.memory_space<hbm>>
    %dma_wait3A_80 = tpu.memref_slice %arg4[%add3A_78] : memref<2097152xf32, #tpu.memory_space<hbm>> -> memref<16384xf32, #tpu.memory_space<hbm>>
    tpu.wait_dma2 semaphore(%arg14 : memref<!tpu.dma_semaphore, #tpu.memory_space<semaphore_mem>>) src(%arg8 : memref<16384xf32, #tpu.memory_space<vmem>>) dst(%dma_wait3A_80 : memref<16384xf32, #tpu.memory_space<hbm>>)
    return
  }
}

module attributes {stable_mosaic.version = 14 : i64} {
  func.func @_idx_kernel(%arg0: i32, %arg1: memref<1024x3x128xf32, #tpu.memory_space<vmem>>, %arg2: memref<1024x128xi32, #tpu.memory_space<vmem>>) attributes {dimension_semantics = [#tpu.dimension_semantics<arbitrary>], iteration_bounds = array<i64: 16>, scalar_prefetch = 0 : i64, scratch_operands = 0 : i64, tpu.core_type = #tpu.core_type<tc>, window_params = [{transform_indices = @transform_0, window_bounds = array<i64: 1024, 3, 128>}, {transform_indices = @transform_1, window_bounds = array<i64: 1024, 128>}]} {
    %get3A = arith.constant 0 : index
    %get3A_0 = arith.constant 0 : index
    %get3A_1 = arith.constant 0 : index
    %get3A_2 = vector.load %arg1[%get3A, %get3A_0, %get3A_1] : memref<1024x3x128xf32, #tpu.memory_space<vmem>>, vector<1024x1x128xf32>
    %get3A_3 = vector.shape_cast %get3A_2 : vector<1024x1x128xf32> to vector<1024x128xf32>
    %mul3A = arith.constant 1.280000e+02 : f32
    %mul3A_4 = vector.broadcast %mul3A : f32 to vector<1024x128xf32>
    %mul3A_5 = arith.mulf %get3A_3, %mul3A_4 : vector<1024x128xf32>
    %add3A = arith.constant 1.280000e+02 : f32
    %add3A_6 = vector.broadcast %add3A : f32 to vector<1024x128xf32>
    %add3A_7 = arith.addf %mul3A_5, %add3A_6 : vector<1024x128xf32>
    %min3A = arith.constant 255.999969 : f32
    %min3A_8 = vector.broadcast %min3A : f32 to vector<1024x128xf32>
    %min3A_9 = arith.minimumf %add3A_7, %min3A_8 : vector<1024x128xf32>
    %convert_element_type3A = arith.fptosi %min3A_9 : vector<1024x128xf32> to vector<1024x128xi32>
    %get3A_10 = arith.constant 0 : index
    %get3A_11 = arith.constant 1 : index
    %get3A_12 = arith.constant 0 : index
    %get3A_13 = vector.load %arg1[%get3A_10, %get3A_11, %get3A_12] : memref<1024x3x128xf32, #tpu.memory_space<vmem>>, vector<1024x1x128xf32>
    %get3A_14 = vector.shape_cast %get3A_13 : vector<1024x1x128xf32> to vector<1024x128xf32>
    %mul3A_15 = arith.constant 1.280000e+02 : f32
    %mul3A_16 = vector.broadcast %mul3A_15 : f32 to vector<1024x128xf32>
    %mul3A_17 = arith.mulf %get3A_14, %mul3A_16 : vector<1024x128xf32>
    %add3A_18 = arith.constant 1.280000e+02 : f32
    %add3A_19 = vector.broadcast %add3A_18 : f32 to vector<1024x128xf32>
    %add3A_20 = arith.addf %mul3A_17, %add3A_19 : vector<1024x128xf32>
    %min3A_21 = arith.constant 255.999969 : f32
    %min3A_22 = vector.broadcast %min3A_21 : f32 to vector<1024x128xf32>
    %min3A_23 = arith.minimumf %add3A_20, %min3A_22 : vector<1024x128xf32>
    %convert_element_type3A_24 = arith.fptosi %min3A_23 : vector<1024x128xf32> to vector<1024x128xi32>
    %get3A_25 = arith.constant 0 : index
    %get3A_26 = arith.constant 2 : index
    %get3A_27 = arith.constant 0 : index
    %get3A_28 = vector.load %arg1[%get3A_25, %get3A_26, %get3A_27] : memref<1024x3x128xf32, #tpu.memory_space<vmem>>, vector<1024x1x128xf32>
    %get3A_29 = vector.shape_cast %get3A_28 : vector<1024x1x128xf32> to vector<1024x128xf32>
    %mul3A_30 = arith.constant 1.280000e+02 : f32
    %mul3A_31 = vector.broadcast %mul3A_30 : f32 to vector<1024x128xf32>
    %mul3A_32 = arith.mulf %get3A_29, %mul3A_31 : vector<1024x128xf32>
    %add3A_33 = arith.constant 1.280000e+02 : f32
    %add3A_34 = vector.broadcast %add3A_33 : f32 to vector<1024x128xf32>
    %add3A_35 = arith.addf %mul3A_32, %add3A_34 : vector<1024x128xf32>
    %min3A_36 = arith.constant 255.999969 : f32
    %min3A_37 = vector.broadcast %min3A_36 : f32 to vector<1024x128xf32>
    %min3A_38 = arith.minimumf %add3A_35, %min3A_37 : vector<1024x128xf32>
    %convert_element_type3A_39 = arith.fptosi %min3A_38 : vector<1024x128xf32> to vector<1024x128xi32>
    %shift_left3A = arith.constant 7 : i32
    %shift_left3A_40 = vector.broadcast %shift_left3A : i32 to vector<1024x128xi32>
    %shift_left3A_41 = arith.shli %convert_element_type3A_24, %shift_left3A_40 : vector<1024x128xi32>
    %shift_right_arithmetic3A = arith.constant 3 : i32
    %shift_right_arithmetic3A_42 = vector.broadcast %shift_right_arithmetic3A : i32 to vector<1024x128xi32>
    %shift_right_arithmetic3A_43 = arith.shrsi %convert_element_type3A_24, %shift_right_arithmetic3A_42 : vector<1024x128xi32>
    %shift_left3A_44 = arith.constant 10 : i32
    %shift_left3A_45 = vector.broadcast %shift_left3A_44 : i32 to vector<1024x128xi32>
    %shift_left3A_46 = arith.shli %shift_right_arithmetic3A_43, %shift_left3A_45 : vector<1024x128xi32>
    %add3A_47 = arith.addi %shift_left3A_41, %shift_left3A_46 : vector<1024x128xi32>
    %and3A = arith.constant 127 : i32
    %and3A_48 = vector.broadcast %and3A : i32 to vector<1024x128xi32>
    %and3A_49 = arith.andi %convert_element_type3A_39, %and3A_48 : vector<1024x128xi32>
    %shift_right_arithmetic3A_50 = arith.constant 7 : i32
    %shift_right_arithmetic3A_51 = vector.broadcast %shift_right_arithmetic3A_50 : i32 to vector<1024x128xi32>
    %shift_right_arithmetic3A_52 = arith.shrsi %convert_element_type3A_39, %shift_right_arithmetic3A_51 : vector<1024x128xi32>
    %shift_left3A_53 = arith.constant 10 : i32
    %shift_left3A_54 = vector.broadcast %shift_left3A_53 : i32 to vector<1024x128xi32>
    %shift_left3A_55 = arith.shli %shift_right_arithmetic3A_52, %shift_left3A_54 : vector<1024x128xi32>
    %or3A = arith.ori %and3A_49, %shift_left3A_55 : vector<1024x128xi32>
    %shift_left3A_56 = arith.constant 16 : i32
    %shift_left3A_57 = vector.broadcast %shift_left3A_56 : i32 to vector<1024x128xi32>
    %shift_left3A_58 = arith.shli %convert_element_type3A, %shift_left3A_57 : vector<1024x128xi32>
    %or3A_59 = arith.ori %shift_left3A_58, %add3A_47 : vector<1024x128xi32>
    %or3A_60 = arith.ori %or3A_59, %or3A : vector<1024x128xi32>
    %swap3A = arith.constant 0 : index
    %swap3A_61 = arith.constant 0 : index
    %swap3A_62 = vector.load %arg2[%swap3A, %swap3A_61] : memref<1024x128xi32, #tpu.memory_space<vmem>>, vector<1024x128xi32>
    tpu.vector_store %arg2[%swap3A, %swap3A_61], %or3A_60 {strides = array<i32>} : memref<1024x128xi32, #tpu.memory_space<vmem>>, vector<1024x128xi32>,
    return
  }
  func.func @transform_0(%arg0: i32) -> (i32, i32, i32) {
    %c0_i32 = arith.constant 0 : i32
    %c0_i32_0 = arith.constant 0 : i32
    %c0_i32_1 = arith.constant 0 : i32
    return %arg0, %c0_i32, %c0_i32_0 : i32, i32, i32
  }
  func.func @transform_1(%arg0: i32) -> (i32, i32) {
    %c0_i32 = arith.constant 0 : i32
    %c0_i32_0 = arith.constant 0 : i32
    return %arg0, %c0_i32 : i32, i32
  }
}

</mosaic_0001>

<sc_bundles>
// kernel: kernel.4.cloned.1.call-start
scs
__scs_entry_jumppad:
0x0: {  	(pc) =	sbr.rel $0x88, $3  }
0x1: {  	(tag) =	ssettag $0x0;
	lr =	simm.s32 $0x1  }
0x2: {  	[smem:$0x3F9F] =	sst lr;
	_ =	strace $0xD0000000  }
0x3: {  	_ = 	snop  }
0x4: {  	_ = 	snop  }
0x5: {  	_ = 	snop  }
0x6: {  	_ = 	snop  }
0x7: {  	_ = 	snop  }
__scs_overlays_trampoline_lowered:
0x8: {  	[smem:$0x3FAE] =	sst s0  }
0x9: {  	[smem:$0x3FAF] =	sst s1  }
0xa: {  	[smem:$0x3FB0] =	sst s2  }
0xb: {  	[smem:$0x3FB1] =	sst s3  }
0xc: {  	[smem:$0x3FB2] =	sst s4  }
0xd: {  	[smem:$0x3FB3] =	sst s5  }
0xe: {  	[smem:$0x3FB4] =	sst s6  }
0xf: {  	[smem:$0x3FB5] =	sst s7  }
0x10: {  	[smem:$0x3FB6] =	sst s8  }
0x11: {  	[smem:$0x3FB7] =	sst s9;
	s0 =	simm.s32 @!p0 $0x0  }
0x12: {  	s1 =	sld [smem:$0x3F9D];
	s0 =	simm.s32 @p0 $0x1  }
0x13: {  	[smem:$0x3FB8] =	sst s0;
	s0 =	simm.s32 @!p1 $0x0  }
0x14: {  	s2 =	sld [smem:$0x3F9C];
	s0 =	simm.s32 @p1 $0x1  }
0x15: {  	[smem:$0x3FB9] =	sst s0;
	s0 =	simm.s32 @!p2 $0x0  }
0x16: {  	s3 =	sld [smem:$0x3FDB];
	s0 =	simm.s32 @p2 $0x1  }
0x17: {  	s4 =	simm.s32 $0x1BF5;
	[smem:$0x3FBB] =	sst s0  }
0x18: {  	s0 =	sld [smem:$0x3F9E];
	_ =	swait.ge [sflag:s4], $0x0  }
0x19: {  	s7 =	sld [smem:$0x3F9F]  }
0x1a: {  	s8 =	sadd.s32 $0xFFFFE003, lr  }
0x1b: {  	s9 =	sadd.s32 $0xFFFFFEF7, lr;
	s5 =	simm.s32 $0xFFFFFFFF;
	p2 =	slt.u32 s8, $0xFFFFF086  }
0x1c: {  	p1 =	slt.u32 s9, $0xF7A;
	s5 =	simm.s32 @!p2 $0x0  }
0x1d: {  	s5 =	simm.s32 @p1 $0x1;
	p0 =	seq.s32 s7, s2  }
0x1e: {  	s7 =	smul.u32 @!p0 $0xF7A, s2;
	p2 =	seq.s32 @!p0 s5, $0x0  }
0x1f: {  	s9 =	smul.u32 $0xF7A, s1;
	s8 =	simm.s32 @!p0 $0x1BF5;
	p2 =	por !p2, p0  }
0x20: {  	[sflag:s8] =	ssyncset.s32 @!p0 $0xFFFFF086;
	s6 =	sadd.s32 @!p0 s3, s7;
	s7 =	simm.s32 @!p0 $0x108  }
0x21: {  	s3 =	sadd.s32 s3, s9;
	s6 =	sadd.s32 @!p0 $0x88, s6;
	s7 =	simm.s32 @p2 $0x1082  }
0x22: {  	[simem:s7], [sflag:s8] =	dma.local @!p0 [hbm:s6], $0xF7A  }
0x23: {  	s9 =	sor.u32 $0xD0000000, s2;
	s6 =	simm.s32 $0x108;
	_ =	swait.ge @!p0 [sflag:s8], $0x0  }
0x24: {  	s3 =	sadd.s32 $0x88, s3;
	s6 =	simm.s32 @!p1 $0x1082;
	[sflag:s4] =	ssyncset.s32 $0xFFFFF086  }
0x25: {  	[simem:s6], [sflag:s4] =	dma.local [hbm:s3], $0xF7A  }
0x26: {  	[smem:$0x3F9F] =	sst s1;
	(tag) =	ssettag s2;
	_ =	strace s9  }
0x27: {  	s1 =	sld [smem:$0x3FAF]  }
0x28: {  	s2 =	sld [smem:$0x3FB0]  }
0x29: {  	s4 =	sld [smem:$0x3FB2]  }
0x2a: {  	p0 =	seq.s32 s5, $0x0;
	s5 =	sld [smem:$0x3FB3]  }
0x2b: {  	s6 =	sld [smem:$0x3FB4]  }
0x2c: {  	s7 =	sld [smem:$0x3FB5]  }
0x2d: {  	s3 =	simm.s32 $0x108;
	s8 =	sld [smem:$0x3FB6]  }
0x2e: {  	s3 =	simm.s32 @!p0 $0x1082;
	s9 =	sld [smem:$0x3FB7]  }
0x2f: {  	lr =	sadd.s32 s0, s3;
	s0 =	sld [smem:$0x3FAE]  }
0x30: {  	s3 =	sld [smem:$0x3FB1]  }
0x31: {  	[smem:$0x3FBA] =	sst s10  }
0x32: {  	s10 =	sld [smem:$0x3FB8];
	_ =	sdelay $0x3  }
0x33: {  	p0 =	seq.s32 s10, $0x1;
	s10 =	sld [smem:$0x3FBA];
	_ =	sdelay $0x3  }
0x34: {  	[smem:$0x3FBA] =	sst s10  }
0x35: {  	s10 =	sld [smem:$0x3FB9];
	_ =	sdelay $0x3  }
0x36: {  	p1 =	seq.s32 s10, $0x1;
	s10 =	sld [smem:$0x3FBA];
	_ =	sdelay $0x3  }
0x37: {  	[smem:$0x3FBA] =	sst s10  }
0x38: {  	s10 =	sld [smem:$0x3FBB]  }
0x39: {  	_ = 	snop;
	(pc) =	sbr.ind lr, $3  }
0x3a: {  	_ = 	snop  }
0x3b: {  	_ = 	snop  }
0x3c: {  	p2 =	seq.s32 s10, $0x1;
	s10 =	sld [smem:$0x3FBA]  }
0x3d: {  	_ =	shalt  }
0x3e: {  	_ =	shalt  }
0x3f: {  	_ =	shalt  }
0x40: {  	_ =	shalt  }
0x41: {  	_ =	shalt  }
0x42: {  	_ =	shalt  }
0x43: {  	_ =	shalt  }
0x44: {  	_ =	shalt  }
0x45: {  	_ =	shalt  }
0x46: {  	_ =	shalt  }
0x47: {  	_ =	shalt  }
0x48: {  	_ =	shalt  }
0x49: {  	_ =	shalt  }
0x4a: {  	_ =	shalt  }
0x4b: {  	_ =	shalt  }
0x4c: {  	_ =	shalt  }
0x4d: {  	_ =	shalt  }
0x4e: {  	_ =	shalt  }
0x4f: {  	_ =	shalt  }
0x50: {  	_ =	shalt  }
0x51: {  	_ =	shalt  }
0x52: {  	_ =	shalt  }
0x53: {  	_ =	shalt  }
0x54: {  	_ =	shalt  }
0x55: {  	_ =	shalt  }
0x56: {  	_ =	shalt  }
0x57: {  	_ =	shalt  }
0x58: {  	_ =	shalt  }
0x59: {  	_ =	shalt  }
0x5a: {  	_ =	shalt  }
0x5b: {  	_ =	shalt  }
0x5c: {  	_ =	shalt  }
0x5d: {  	_ =	shalt  }
0x5e: {  	_ =	shalt  }
0x5f: {  	_ =	shalt  }
0x60: {  	_ =	shalt  }
0x61: {  	_ =	shalt  }
0x62: {  	_ =	shalt  }
0x63: {  	_ =	shalt  }
0x64: {  	_ =	shalt  }
0x65: {  	_ =	shalt  }
0x66: {  	_ =	shalt  }
0x67: {  	_ =	shalt  }
0x68: {  	_ =	shalt  }
0x69: {  	_ =	shalt  }
0x6a: {  	_ =	shalt  }
0x6b: {  	_ =	shalt  }
0x6c: {  	_ =	shalt  }
0x6d: {  	_ =	shalt  }
0x6e: {  	_ =	shalt  }
0x6f: {  	_ =	shalt  }
0x70: {  	_ =	shalt  }
0x71: {  	_ =	shalt  }
0x72: {  	_ =	shalt  }
0x73: {  	_ =	shalt  }
0x74: {  	_ =	shalt  }
0x75: {  	_ =	shalt  }
0x76: {  	_ =	shalt  }
0x77: {  	_ =	shalt  }
0x78: {  	_ =	shalt  }
0x79: {  	_ =	shalt  }
0x7a: {  	_ =	shalt  }
0x7b: {  	_ =	shalt  }
0x7c: {  	_ =	shalt  }
0x7d: {  	_ =	shalt  }
0x7e: {  	_ =	shalt  }
0x7f: {  	_ =	shalt  }
0x80: {  	_ =	shalt  }
0x81: {  	_ =	shalt  }
0x82: {  	_ =	shalt  }
0x83: {  	_ =	shalt  }
0x84: {  	_ =	shalt  }
0x85: {  	_ =	shalt  }
0x86: {  	_ =	shalt  }
0x87: {  	_ =	shalt  }
.Lfunc_end0:
.L_simem_size_0:
called_computation_lowered:
.L_overlay_start_0:
0x88: {  	s2 =	sld [smem:$0x3FD9]  }
0x89: {  	s3 =	sld [smem:$0x3FFE];
	_ =	sdelay $0x1  }
0x8a: {  	s1 =	srdreg.scid  }
0x8b: {  	s0 =	sand.u32 $0x1, s1  }
0x8c: {  	s17 =	sshll.u32 s0, $0xA;
	s2 =	sadd.s32 s3, s2  }
0x8d: {  	s2 =	sadd.s32 s2, s17  }
0x8e: {  	[smem:$0x3FC6] =	sst s2  }
0x8f: {  	_ = 	snop  }
0x90: {  	s2 =	sld [smem:$0x3FC8]  }
0x91: {  	s18 =	sld [smem:$0x3FD0];
	(tm) =	ssettm $0x1  }
0x92: {  	s4 =	sld [smem:$0x3FFB];
	_ =	sdelay $0x3  }
0x93: {  	_ =	strace s4  }
0x94: {  	s4 =	sld [smem:$0x3FFC];
	_ =	sdelay $0x3  }
0x95: {  	_ =	strace s4  }
0x96: {  	s4 =	sld [smem:$0x3FFD];
	_ =	sdelay $0x3  }
0x97: {  	_ =	strace s4  }
0x98: {  	_ =	strace $0x8FFFFFFF  }
0x99: {  	s19 =	sld [smem:$0x3FDB];
	_ =	sdelay $0x1  }
0x9a: {  	s5 =	simm.s32 $_scs_section_size  }
0x9b: {  	s6 =	simm.s32 $_size__tile_overlayer_lowered;
	s7 =	simm.s32 $_tile_overlayer_lowered  }
0x9c: {  	s22 =	simm.s32 $0x1BFF;
	s21 =	sshll.u32 s7, $0x1;
	s4 =	sadd.s32 s5, s19  }
0x9d: {  	s8 =	simm.s32 $0x0;
	s20 =	sshll.u32 s6, $0x1;
	s6 =	sadd.s32 s21, s4  }
0x9e: {  	[timem:s8], [sflag:s22] =	dma.local [hbm:s6], s20  }
0x9f: {  	_ =	swait.ge [sflag:s22], s20  }
0xa0: {  	s5 =	ssub.s32 $0x0, s20;
	[sflag:s22] =	ssyncset.done $0x0  }
0xa1: {  	[sflag:s22] =	ssyncadd.s32 s5;
	_ =	sdelay $0x1  }
0xa2: {  	s23 =	simm.s32 $0x1B8B  }
0xa3: {  	_ =	swait.ge [sflag:s23], $0x1  }
0xa4: {  	[sflag:s23] =	ssyncset.done $0x0  }
0xa5: {  	s25 =	simm.s32 $0x1B8E;
	s24 =	sld [smem:$0x3FFE];
	[sflag:s23] =	ssyncadd.s32 $0xFFFFFFFF  }
0xa6: {  	s26 =	simm.s32 $execute0_lowered;
	[smem:$0x3FD2] =	sst s25  }
0xa7: {  	s6 =	sshll.u32 s26, $0x1;
	_ =	strace $0x80000046;
	[dreg:$0x1] =	wrdreg $0xFFFFFFFF  }
0xa8: {  	s28 =	simm.s32 $_size_execute0_lowered;
	s4 =	sadd.s32 s4, s6;
	[dreg:$0x0] =	wrdreg $0x0  }
0xa9: {  	s6 =	sshll.u32 s28, $0x1;
	[dreg:$0x2] =	wrdreg s4  }
0xaa: {  	[dreg:$0x3] =	wrdreg s6  }
0xab: {  	[dreg:$0x4] =	wrdreg $0xC0  }
0xac: {  	_ =	task [dreg:s8], $0x5FFFF  }
0xad: {  	[dreg:$0x1] =	wrdreg $0xFFFFFFFF  }
0xae: {  	[dreg:$0x0] =	wrdreg $0x60  }
0xaf: {  	[dreg:$0x2] =	wrdreg s24  }
0xb0: {  	[dreg:$0x3] =	wrdreg s2  }
0xb1: {  	[dreg:$0x4] =	wrdreg s18  }
0xb2: {  	[dreg:$0x5] =	wrdreg $0x9  }
0xb3: {  	_ =	task.clear_ibuf [dreg:s8], $0x6FFFF;
	_ =	strace $0x90000046  }
0xb4: {  	s29 =	simm.s32 $0x9;
	_ =	strace $0x80000048  }
0xb5: {  	_ =	swait.ge [sflag:s29], $0x1  }
0xb6: {  	[sflag:s29] =	ssyncadd.s32 $0xFFFFFFFF  }
0xb7: {  	_ =	strace $0x90000048  }
0xb8: {  	_ =	sfence  }
0xb9: {  	s30 =	sld [smem:$0x0];
	_ =	sdelay $0x2  }
0xba: {  	s31 =	sshll.u32 s1, $0xD;
	s1 =	sshrl.u32 s1, $0x2  }
0xbb: {  	s3 =	sand.u32 $0x4000, s31;
	s1 =	sadd.s32 s1, s30  }
0xbc: {  	s0 =	sor.u32 s3, s0;
	s1 =	sshll.u32 s1, $0x11  }
0xbd: {  	s0 =	sor.u32 s1, s0  }
0xbe: {  	s0 =	sadd.s32 $0x8F2B, s0  }
0xbf: {  	[sflag:s0] =	ssyncadd.remote.s32 $0x1  }
0xc0: {  	_ =	sfence.sel $0xFFFF  }
0xc1: {  	[dreg:$0x0] =	wrdreg $0xFFFFFFFF;
	(pc) =	sbr.abs _section_cstart, $3  }
0xc2: {  	[dreg:$0x1] =	wrdreg $0xFFFFFFFF  }
0xc3: {  	_ =	task.clear_ibuf [dreg:s8], $0x2FFFF;
	_ =	strace $0x9FFFFFFF  }
0xc4: {  	(tm) =	ssettm $0x7FFFFFFF  }
0xc5: {  	_ =	shalt  }
tec
execute0_lowered:
.L_overlay_start_1:
0x0: {  	(tag) =	ssettag $0x1  }
0x1: {  	s4 =	rddreg [dreg:$0x0]  }
0x2: {  	s2 =	rddreg [dreg:$0x1]  }
0x3: {  	s20 =	rddreg [dreg:$0x2];
	s3 =	srdreg.scid  }
0x4: {  	s0 =	rddreg [dreg:$0x3];
	s1 =	stileid.u32;
	s21 =	sand.u32 $0x1, s3  }
0x5: {  	s3 =	simm.s32 $0x0;
	s5 =	sshll.u32 s1, $0xE;
	s6 =	sshll.u32 s21, $0xD  }
0x6: {  	s15 =	sadd.s32 $0x600, s4;
	[smem:$0x7FF] =	sst s3;
	s16 =	sor.u32 s6, s5  }
0x7: {  	_ =	strace $0x80000047;
	s4 =	sadd.s32 s15, s16;
	s17 =	sor.u32 $0x800, s16  }
0x8: {  	[tilespmem:s3], [sflag:$0x1] =	stream.linear.gather [hbm4b:s4+s3], $0x4000, $0x38;
	[tilespmem:$0x10000] =	vst v63  }
0x9: {  	s7 =	simm.s32 $0x1;
	s6 =	simm.s32 $0x4000;
	s5 =	sadd.s32 s15, s17  }
0xa: {  	[tilespmem:s6], [sflag:$0x2] =	stream.linear.gather [hbm4b:s5+s3], $0x4000, $0x38;
	[tilespmem:$0x10000] =	vst v63  }
0xb: {  	_ =	swait.ge [sflag:s7], $0x4000  }
0xc: {  	[sflag:s7] =	ssyncset.done $0x0  }
0xd: {  	s8 =	simm.s32 $0x8000;
	s9 =	simm.s32 $0x3;
	[sflag:s7] =	ssyncadd.s32 $0xFFFFC000  }
0xe: {  	[tilespmem:s8], [sflag:$0x3] =	stream.indirect.gather [hbm4b:s2+s6], $0x1, s3, s6, $0xb8;
	[tilespmem:$0x10000] =	vst v63  }
0xf: {  	_ =	swait.ge [sflag:s9], $0x4000  }
0x10: {  	s18 =	sor.u32 $0x1000, s16;
	[sflag:s9] =	ssyncset.done $0x0  }
0x11: {  	s10 =	sadd.s32 s15, s18;
	[sflag:s9] =	ssyncadd.s32 $0xFFFFC000  }
0x12: {  	[tilespmem:s3], [sflag:$0x1] =	stream.linear.gather [hbm4b:s10+s3], $0x4000, $0x38;
	[tilespmem:$0x10000] =	vst v63  }
0x13: {  	s12 =	simm.s32 $0x2;
	s11 =	sadd.s32 s20, s16  }
0x14: {  	[hbm4b:s11+s3] =	stream.linear.scatter [tilespmem:s8], [sflag:$0x5], $0x4000, $0x38;
	[tilespmem:$0x10000] =	vst v63  }
0x15: {  	_ =	swait.ge [sflag:s12], $0x4000  }
0x16: {  	[sflag:s12] =	ssyncset.done $0x0  }
0x17: {  	s13 =	simm.s32 $0xC000;
	s14 =	simm.s32 $0x4;
	[sflag:s12] =	ssyncadd.s32 $0xFFFFC000  }
0x18: {  	[tilespmem:s13], [sflag:$0x4] =	stream.indirect.gather [hbm4b:s2+s6], $0x1, s6, s6, $0xb8;
	[tilespmem:$0x10000] =	vst v63  }
0x19: {  	_ =	swait.ge [sflag:s14], $0x4000  }
0x1a: {  	s22 =	sor.u32 $0x1800, s16;
	[sflag:s14] =	ssyncset.done $0x0  }
0x1b: {  	s15 =	sadd.s32 s15, s22;
	[sflag:s14] =	ssyncadd.s32 $0xFFFFC000  }
0x1c: {  	[tilespmem:s6], [sflag:$0x2] =	stream.linear.gather [hbm4b:s15+s3], $0x4000, $0x38;
	[tilespmem:$0x10000] =	vst v63  }
0x1d: {  	s16 =	sadd.s32 s20, s17  }
0x1e: {  	[hbm4b:s16+s3] =	stream.linear.scatter [tilespmem:s13], [sflag:$0x6], $0x4000, $0x38;
	[tilespmem:$0x10000] =	vst v63  }
0x1f: {  	_ =	swait.ge [sflag:s7], $0x4000  }
0x20: {  	[sflag:s7] =	ssyncset.done $0x0  }
0x21: {  	s17 =	simm.s32 $0x5;
	[sflag:s7] =	ssyncadd.s32 $0xFFFFC000  }
0x22: {  	_ =	swait.ge [sflag:s17], $0x4000  }
0x23: {  	[sflag:s17] =	ssyncset.done $0x0  }
0x24: {  	[sflag:s17] =	ssyncadd.s32 $0xFFFFC000  }
0x25: {  	[tilespmem:s8], [sflag:$0x3] =	stream.indirect.gather [hbm4b:s2+s6], $0x1, s3, s6, $0xb8;
	[tilespmem:$0x10000] =	vst v63  }
0x26: {  	_ =	swait.ge [sflag:s9], $0x4000  }
0x27: {  	[sflag:s9] =	ssyncset.done $0x0  }
0x28: {  	s18 =	sadd.s32 s20, s18;
	[sflag:s9] =	ssyncadd.s32 $0xFFFFC000  }
0x29: {  	[hbm4b:s18+s3] =	stream.linear.scatter [tilespmem:s8], [sflag:$0x5], $0x4000, $0x38;
	[tilespmem:$0x10000] =	vst v63  }
0x2a: {  	_ =	swait.ge [sflag:s12], $0x4000  }
0x2b: {  	[sflag:s12] =	ssyncset.done $0x0  }
0x2c: {  	s19 =	simm.s32 $0x6;
	[sflag:s12] =	ssyncadd.s32 $0xFFFFC000  }
0x2d: {  	_ =	swait.ge [sflag:s19], $0x4000  }
0x2e: {  	s21 =	ssub.s32 $0x2, s21;
	[sflag:s19] =	ssyncset.done $0x0  }
0x2f: {  	s31 =	sshrl.u32 s21, $0x1;
	[sflag:s19] =	ssyncadd.s32 $0xFFFFC000  }
0x30: {  	[tilespmem:s13], [sflag:$0x4] =	stream.indirect.gather [hbm4b:s2+s6], $0x1, s6, s6, $0xb8;
	[tilespmem:$0x10000] =	vst v63  }
0x31: {  	s21 =	ssub.s32 s21, s31;
	_ =	swait.ge [sflag:s14], $0x4000  }
0x32: {  	s21 =	smax.u32 s21, $0x1;
	[sflag:s14] =	ssyncset.done $0x0  }
0x33: {  	s20 =	sadd.s32 s20, s22;
	p0 =	sne.s32 s21, $0x1;
	[sflag:s14] =	ssyncadd.s32 $0xFFFFC000  }
0x34: {  	[hbm4b:s20+s3] =	stream.linear.scatter [tilespmem:s13], [sflag:$0x6], $0x4000, $0x38;
	[tilespmem:$0x10000] =	vst v63  }
.Ltmp0:
0x35: {  	_ =	swait.ge [sflag:s17], $0x4000;
	(pc) =	sbr.rel @!p0 .LBB2_2-.Ltmp0, $4  }
0x36: {  	[sflag:s17] =	ssyncset.done $0x0  }
0x37: {  	[sflag:s17] =	ssyncadd.s32 $0xFFFFC000  }
0x38: {  	_ =	swait.ge [sflag:s19], $0x4000  }
0x39: {  	s21 =	sadd.s32 $0xFFFFFFFF, s21;
	[sflag:s19] =	ssyncset.done $0x0  }
.LBB2_1:
0x3a: {  	p0 =	sne.s32 s21, $0x1;
	s21 =	sadd.s32 $0xFFFFFFFF, s21;
	[sflag:s19] =	ssyncadd.s32 $0xFFFFC000  }
0x3b: {  	[tilespmem:s3], [sflag:$0x1] =	stream.linear.gather [hbm4b:s4+s3], $0x4000, $0x38;
	[tilespmem:$0x10000] =	vst v63  }
0x3c: {  	_ = 	snop  }
0x3d: {  	[tilespmem:s6], [sflag:$0x2] =	stream.linear.gather [hbm4b:s5+s3], $0x4000, $0x38;
	[tilespmem:$0x10000] =	vst v63  }
0x3e: {  	_ =	swait.ge [sflag:s7], $0x4000  }
0x3f: {  	[sflag:s7] =	ssyncset.done $0x0  }
0x40: {  	[sflag:s7] =	ssyncadd.s32 $0xFFFFC000  }
0x41: {  	[tilespmem:s8], [sflag:$0x3] =	stream.indirect.gather [hbm4b:s2+s6], $0x1, s3, s6, $0xb8;
	[tilespmem:$0x10000] =	vst v63  }
0x42: {  	_ =	swait.ge [sflag:s9], $0x4000  }
0x43: {  	[sflag:s9] =	ssyncset.done $0x0  }
0x44: {  	[sflag:s9] =	ssyncadd.s32 $0xFFFFC000  }
0x45: {  	[tilespmem:s3], [sflag:$0x1] =	stream.linear.gather [hbm4b:s10+s3], $0x4000, $0x38;
	[tilespmem:$0x10000] =	vst v63  }
0x46: {  	_ = 	snop  }
0x47: {  	[hbm4b:s11+s3] =	stream.linear.scatter [tilespmem:s8], [sflag:$0x5], $0x4000, $0x38;
	[tilespmem:$0x10000] =	vst v63  }
0x48: {  	_ =	swait.ge [sflag:s12], $0x4000  }
0x49: {  	[sflag:s12] =	ssyncset.done $0x0  }
0x4a: {  	[sflag:s12] =	ssyncadd.s32 $0xFFFFC000  }
0x4b: {  	[tilespmem:s13], [sflag:$0x4] =	stream.indirect.gather [hbm4b:s2+s6], $0x1, s6, s6, $0xb8;
	[tilespmem:$0x10000] =	vst v63  }
0x4c: {  	_ =	swait.ge [sflag:s14], $0x4000  }
0x4d: {  	[sflag:s14] =	ssyncset.done $0x0  }
0x4e: {  	[sflag:s14] =	ssyncadd.s32 $0xFFFFC000  }
0x4f: {  	[tilespmem:s6], [sflag:$0x2] =	stream.linear.gather [hbm4b:s15+s3], $0x4000, $0x38;
	[tilespmem:$0x10000] =	vst v63  }
0x50: {  	_ = 	snop  }
0x51: {  	[hbm4b:s16+s3] =	stream.linear.scatter [tilespmem:s13], [sflag:$0x6], $0x4000, $0x38;
	[tilespmem:$0x10000] =	vst v63  }
0x52: {  	_ =	swait.ge [sflag:s7], $0x4000  }
0x53: {  	[sflag:s7] =	ssyncset.done $0x0  }
0x54: {  	[sflag:s7] =	ssyncadd.s32 $0xFFFFC000  }
0x55: {  	_ =	swait.ge [sflag:s17], $0x4000  }
0x56: {  	[sflag:s17] =	ssyncset.done $0x0  }
0x57: {  	[sflag:s17] =	ssyncadd.s32 $0xFFFFC000  }
0x58: {  	[tilespmem:s8], [sflag:$0x3] =	stream.indirect.gather [hbm4b:s2+s6], $0x1, s3, s6, $0xb8;
	[tilespmem:$0x10000] =	vst v63  }
0x59: {  	_ =	swait.ge [sflag:s9], $0x4000  }
0x5a: {  	[sflag:s9] =	ssyncset.done $0x0  }
0x5b: {  	[sflag:s9] =	ssyncadd.s32 $0xFFFFC000  }
0x5c: {  	[hbm4b:s18+s3] =	stream.linear.scatter [tilespmem:s8], [sflag:$0x5], $0x4000, $0x38;
	[tilespmem:$0x10000] =	vst v63  }
0x5d: {  	_ =	swait.ge [sflag:s12], $0x4000  }
0x5e: {  	[sflag:s12] =	ssyncset.done $0x0  }
0x5f: {  	[sflag:s12] =	ssyncadd.s32 $0xFFFFC000  }
0x60: {  	_ =	swait.ge [sflag:s19], $0x4000  }
0x61: {  	[sflag:s19] =	ssyncset.done $0x0  }
0x62: {  	[sflag:s19] =	ssyncadd.s32 $0xFFFFC000  }
0x63: {  	[tilespmem:s13], [sflag:$0x4] =	stream.indirect.gather [hbm4b:s2+s6], $0x1, s6, s6, $0xb8;
	[tilespmem:$0x10000] =	vst v63  }
0x64: {  	_ =	swait.ge [sflag:s14], $0x4000  }
0x65: {  	[sflag:s14] =	ssyncset.done $0x0  }
0x66: {  	[sflag:s14] =	ssyncadd.s32 $0xFFFFC000  }
0x67: {  	[hbm4b:s20+s3] =	stream.linear.scatter [tilespmem:s13], [sflag:$0x6], $0x4000, $0x38;
	[tilespmem:$0x10000] =	vst v63  }
.Ltmp1:
0x68: {  	_ =	swait.ge [sflag:s17], $0x4000;
	(pc) =	sbr.rel @p0 .LBB2_1-.Ltmp1, $4  }
0x69: {  	[sflag:s17] =	ssyncset.done $0x0  }
0x6a: {  	[sflag:s17] =	ssyncadd.s32 $0xFFFFC000  }
0x6b: {  	_ =	swait.ge [sflag:s19], $0x4000  }
0x6c: {  	[sflag:s19] =	ssyncset.done $0x0  }
.LBB2_2:
0x6d: {  	[sflag:s19] =	ssyncadd.s32 $0xFFFFC000  }
0x6e: {  	_ =	sfence.sel $0x180000  }
0x6f: {  	[bflag:$0x0] =	sbarrier.arrive $0xFFFF  }
0x70: {  	p0 =	sne.s32 s1, $0x0;
	_ =	strace $0x90000047  }
0x71: {  	s0 =	sadd.s32 @!p0 $0x100000, s0;
	[bflag:$0x2] =	sbarrier.arrive $0xFFFF  }
0x72: {  	[sflag:s0] =	ssyncadd.tile.s32 @!p0 $0x1;
	_ =	shalt  }
.Lfunc_end2:
_tile_overlayer_lowered:
.L_overlay_start_2:
0x73: {  	(tag) =	ssettag $0x2  }
0x74: {  	s0 =	rddreg [dreg:$0x0];
	s2 =	stileid.u32  }
0x75: {  	s1 =	rddreg [dreg:$0x1];
	p0 =	sne.s32 s2, $0x0  }
0x76: {  	s3 =	rddreg [dreg:$0x2];
	[bflag:$0x3] =	sbarrier.arrive $0xFFFF;
	s2 =	simm.s32 @!p0 $0x1C07  }
0x77: {  	[timem:s3], [sflag:s2] =	dma.local @!p0 [hbm:s0], s1  }
0x78: {  	s0 =	simm.s32 @!p0 $0x7  }
0x79: {  	_ =	swait.ge @!p0 [sflag:s0], s1  }
0x7a: {  	s1 =	ssub.s32 @!p0 $0x0, s1;
	[sflag:s0] =	ssyncset.done @!p0 $0x0  }
0x7b: {  	[sflag:s0] =	ssyncadd.s32 @!p0 s1  }
0x7c: {  	[bflag:$0x3] =	sbarrier.arrive $0xFFFF  }
0x7d: {  	_ =	shalt  }

</sc_bundles>
